<compile_context>
chip_gen: v7x
topology: tpu7x:2x2x1
jax: 0.10.2.dev20260603
libtpu: 0.0.44.dev20260713+nightly
codegen_flags: <defaults>
</compile_context>

<pallas_src>
import functools

import jax
import jax.numpy as jnp
from jax import lax
from jax.experimental import pallas as pl
from jax.experimental.pallas import tpu as pltpu
from jax.experimental.pallas import tpu_sc as plsc

B, C, H, W = 8, 32, 32, 32
N = B * H * W
K = 8192
BLK = 1024
GRID = N // BLK
CHUNK = 2048
NCHUNK = K // CHUNK


def _vq_tc_kernel(flatt_ref, ft2bf_ref, cbbf_ref, csum_ref, idx_ref, dmin_ref):
    ft = flatt_ref[...]
    sq = ft * ft
    a = sq[0:1, :]
    for c in range(1, 32):
        a = a + sq[c:c + 1, :]

    ft2_bf = ft2bf_ref[...]
    cb_bf = cbbf_ref[...]
    kio = lax.broadcasted_iota(jnp.int32, (CHUNK, BLK), 0)
    big = jnp.int32(2**31 - 1)

    carry_v = None
    for ch in range(NCHUNK):
        s2 = lax.dot_general(cb_bf[ch * CHUNK:(ch + 1) * CHUNK, :], ft2_bf,
                             dimension_numbers=(((1,), (0,)), ((), ())),
                             preferred_element_type=jnp.float32)
        d = (a - s2) + csum_ref[ch * CHUNK:(ch + 1) * CHUNK, :]
        m = jnp.min(d, axis=0, keepdims=True)
        mi = jnp.min(jnp.where(d == m, kio, big),
                     axis=0, keepdims=True) + jnp.int32(ch * CHUNK)
        if carry_v is None:
            carry_v = m.astype(jnp.bfloat16)
            sel_v, sel_i = m, mi
        else:
            up = carry_v.astype(jnp.float32)
            take = m < up
            carry_v = jnp.where(take, m, up).astype(jnp.bfloat16)
            sel_v = jnp.where(take, m, sel_v)
            sel_i = jnp.where(take, mi, sel_i)

    idx_ref[...] = sel_i.reshape(1, 1, BLK)
    dmin_ref[...] = sel_v.reshape(1, 1, BLK)


def _vq_argmin(flatt, ft2bf, cbbf, csum):
    return pl.pallas_call(
        _vq_tc_kernel,
        grid=(GRID,),
        in_specs=[
            pl.BlockSpec((C, BLK), lambda i: (0, i)),
            pl.BlockSpec((C, BLK), lambda i: (0, i)),
            pl.BlockSpec((K, C), lambda i: (0, 0)),
            pl.BlockSpec((K, 1), lambda i: (0, 0)),
        ],
        out_specs=[
            pl.BlockSpec((1, 1, BLK), lambda i: (i, 0, 0)),
            pl.BlockSpec((1, 1, BLK), lambda i: (i, 0, 0)),
        ],
        out_shape=[
            jax.ShapeDtypeStruct((GRID, 1, BLK), jnp.int32),
            jax.ShapeDtypeStruct((GRID, 1, BLK), jnp.float32),
        ],
    )(flatt, ft2bf, cbbf, csum)


_SC_NC = 2
_SC_NS = 16
_NW = _SC_NC * _SC_NS
_BPW = N // _NW


def _sc_gather(codebook, idx):
    mesh = plsc.VectorSubcoreMesh(core_axis_name="c", subcore_axis_name="s")

    @functools.partial(
        pl.kernel, mesh=mesh,
        compiler_params=pltpu.CompilerParams(use_tc_tiling_on_sc=False),
        out_type=jax.ShapeDtypeStruct((N, C), jnp.float32),
        scratch_types=[
            pltpu.VMEM((_BPW,), jnp.int32),
            pltpu.VMEM((_BPW, C), jnp.float32),
            pltpu.SemaphoreType.DMA,
        ],
    )
    def k(table_hbm, idx_hbm, out_hbm, idx_v, rows_v, sem):
        wid = lax.axis_index("s") * _SC_NC + lax.axis_index("c")
        base = wid * _BPW
        pltpu.sync_copy(idx_hbm.at[pl.ds(base, _BPW)], idx_v)
        pltpu.async_copy(table_hbm.at[idx_v], rows_v, sem).wait()
        pltpu.sync_copy(rows_v, out_hbm.at[pl.ds(base, _BPW)])

    return k(codebook, idx)


def kernel(x, codebook):
    flatt = x.reshape(B, C, H * W).transpose(1, 0, 2).reshape(C, N)
    ft2bf = (2.0 * flatt).astype(jnp.bfloat16)
    cbbf = codebook.astype(jnp.bfloat16)
    csum = jnp.sum(codebook * codebook, axis=1, keepdims=True)
    idx3, dmin3 = _vq_argmin(flatt, ft2bf, cbbf, csum)
    idx = idx3.reshape(N)
    quant = _sc_gather(codebook, idx)
    x_rec = quant.reshape(B, H, W, C).transpose(0, 3, 1, 2)
    embedding_loss = (jnp.sum(dmin3) / jnp.float32(N * C)).astype(jnp.float32)
    commit_loss = jnp.float32(0.25) * embedding_loss
    return (x_rec, embedding_loss, commit_loss)

# --- scband reference (transcript-rebuilt; emitter-appended) ---
"""Pipeline reference for scband-vqvae-35287451304796 (READ-ONLY COPY).

The authoritative reference and input builder live on the scoring server;
editing this copy changes nothing except your own understanding.
"""

import jax, jax.numpy as jnp
import numpy as np

B, C, H, W = 8, 32, 32, 32
K = 8192


def setup_inputs(seed: int = 0) -> dict:
    key = jax.random.key(seed)
    k1, k2 = jax.random.split(key)
    x = jax.random.normal(k1, (B, C, H, W), dtype=jnp.float32)
    codebook = jax.random.normal(k2, (K, C), dtype=jnp.float32) * 0.02
    return {"x": x, "codebook": codebook}


def _vq_indices(flat, cb):
    # squared euclidean distance: ||z||^2 - 2 z.e + ||e||^2
    d = (jnp.sum(flat ** 2, axis=1, keepdims=True)
         - 2.0 * flat @ cb.T
         + jnp.sum(cb ** 2, axis=1)[None, :])
    return jnp.argmin(d, axis=1)


def reference(x, codebook):
    beta = 0.25
    # encoder is identity
    z_e = x
    z_e_p = jnp.transpose(z_e, (0, 2, 3, 1))  # [B,H,W,C]
    flat = z_e_p.reshape(-1, z_e_p.shape[-1])
    cb_det = jax.lax.stop_gradient(codebook)
    indices = _vq_indices(flat, cb_det)
    # vq_st: straight-through quantization against detached codebook
    quant = jnp.take(cb_det, indices, axis=0).reshape(z_e_p.shape)
    codes = z_e_p + jax.lax.stop_gradient(quant - z_e_p)
    codes = jnp.transpose(codes, (0, 3, 1, 2))  # [B,C,H,W]
    # codes_bar: gather from live codebook (grads flow to codebook)
    codes_bar = jnp.take(codebook, indices, axis=0).reshape(z_e_p.shape)
    codes_bar = jnp.transpose(codes_bar, (0, 3, 1, 2))
    # decoder is identity
    x_rec = codes
    commit_loss = beta * jnp.mean((jax.lax.stop_gradient(codes_bar) - z_e) ** 2)
    embedding_loss = jnp.mean((codes_bar - jax.lax.stop_gradient(z_e)) ** 2)
    return (x_rec, embedding_loss, commit_loss)

if __name__ == "__main__":
    import jax
    _d = setup_inputs()
    print(jax.jit(kernel)(*tuple(_d.values())))

</pallas_src>

<mosaic_0001>
#map = affine_map<(d0, d1) -> (0, 0)>
#map1 = affine_map<(d0, d1) -> (0)>
module attributes {stable_mosaic.version = 14 : i64} {
  func.func @k(%arg0: i32, %arg1: i32, %arg2: memref<8192x32xf32, #tpu.memory_space<hbm>>, %arg3: memref<8192xi32, #tpu.memory_space<hbm>>, %arg4: memref<8192x32xf32, #tpu.memory_space<hbm>>, %arg5: memref<256xi32, #tpu.memory_space<vmem>>, %arg6: memref<256x32xf32, #tpu.memory_space<vmem>>, %arg7: memref<!tpu.dma_semaphore, #tpu.memory_space<semaphore_mem>>) attributes {dimension_semantics = [#tpu.dimension_semantics<core_parallel>, #tpu.dimension_semantics<subcore_parallel>], iteration_bounds = array<i64: 2, 16>, scalar_prefetch = 0 : i64, scratch_operands = 3 : i64, tpu.core_type = #tpu.core_type<sc_vector_subcore>, window_params = [{transform_indices = #map}, {transform_indices = #map1}, {transform_indices = #map}]} {
    %mul3A = arith.constant 2 : i32
    %mul3A_0 = arith.muli %arg1, %mul3A : i32
    %add3A = arith.addi %mul3A_0, %arg0 : i32
    %mul3A_1 = arith.constant 256 : i32
    %mul3A_2 = arith.muli %add3A, %mul3A_1 : i32
    "tpu.region"() ({
      %run_scoped3A = tpu.sem_alloc : memref<!tpu.dma_semaphore, #tpu.memory_space<semaphore_mem>>
      %dma_start3A_7 = tpu.memref_slice %arg3[%mul3A_2] : memref<8192xi32, #tpu.memory_space<hbm>> -> memref<256xi32, #tpu.memory_space<hbm>>
      %dma_start3A_8 = tpu.memref_slice %arg3[%mul3A_2] : memref<8192xi32, #tpu.memory_space<hbm>> -> memref<256xi32, #tpu.memory_space<hbm>>
      tpu.enqueue_dma source(%dma_start3A_8 : memref<256xi32, #tpu.memory_space<hbm>>) target(%arg5 : memref<256xi32, #tpu.memory_space<vmem>>) target_semaphore(%run_scoped3A : memref<!tpu.dma_semaphore, #tpu.memory_space<semaphore_mem>>)
      %dma_wait3A_9 = tpu.memref_slice %arg3[%mul3A_2] : memref<8192xi32, #tpu.memory_space<hbm>> -> memref<256xi32, #tpu.memory_space<hbm>>
      %dma_wait3A_10 = tpu.memref_slice %arg3[%mul3A_2] : memref<8192xi32, #tpu.memory_space<hbm>> -> memref<256xi32, #tpu.memory_space<hbm>>
      tpu.wait_dma2 semaphore(%run_scoped3A : memref<!tpu.dma_semaphore, #tpu.memory_space<semaphore_mem>>) src(%dma_wait3A_10 : memref<256xi32, #tpu.memory_space<hbm>>) dst(%arg5 : memref<256xi32, #tpu.memory_space<vmem>>)
      tpu.yield
    }) : () -> ()
    %dma_start3A = arith.constant 0 : i32
    %dma_start3A_3 = arith.constant 0 : i32
    %dma_start3A_4 = tpu.memref_slice %arg2[%dma_start3A, %dma_start3A_3] : memref<8192x32xf32, #tpu.memory_space<hbm>> -> memref<8192x32xf32, #tpu.memory_space<hbm>>
    tpu.enqueue_indirect_dma source(%dma_start3A_4 : memref<8192x32xf32, #tpu.memory_space<hbm>>) target(%arg6 : memref<256x32xf32, #tpu.memory_space<vmem>>) offsets(%arg5 : memref<256xi32, #tpu.memory_space<vmem>>) semaphore(%arg7 : memref<!tpu.dma_semaphore, #tpu.memory_space<semaphore_mem>>)
    %dma_wait3A = arith.constant 0 : i32
    %dma_wait3A_5 = arith.constant 0 : i32
    %dma_wait3A_6 = tpu.memref_slice %arg2[%dma_wait3A, %dma_wait3A_5] : memref<8192x32xf32, #tpu.memory_space<hbm>> -> memref<8192x32xf32, #tpu.memory_space<hbm>>
    tpu.wait_indirect_dma semaphore(%arg7 : memref<!tpu.dma_semaphore, #tpu.memory_space<semaphore_mem>>) src(%dma_wait3A_6 : memref<8192x32xf32, #tpu.memory_space<hbm>>) dst(%arg6 : memref<256x32xf32, #tpu.memory_space<vmem>>)
    "tpu.region"() ({
      %run_scoped3A = tpu.sem_alloc : memref<!tpu.dma_semaphore, #tpu.memory_space<semaphore_mem>>
      %dma_start3A_7 = arith.constant 0 : i32
      %dma_start3A_8 = tpu.memref_slice %arg4[%mul3A_2, %dma_start3A_7] : memref<8192x32xf32, #tpu.memory_space<hbm>> -> memref<256x32xf32, #tpu.memory_space<hbm>>
      %dma_start3A_9 = arith.constant 0 : i32
      %dma_start3A_10 = tpu.memref_slice %arg4[%mul3A_2, %dma_start3A_9] : memref<8192x32xf32, #tpu.memory_space<hbm>> -> memref<256x32xf32, #tpu.memory_space<hbm>>
      tpu.enqueue_dma source(%arg6 : memref<256x32xf32, #tpu.memory_space<vmem>>) target(%dma_start3A_10 : memref<256x32xf32, #tpu.memory_space<hbm>>) target_semaphore(%run_scoped3A : memref<!tpu.dma_semaphore, #tpu.memory_space<semaphore_mem>>)
      %dma_wait3A_11 = arith.constant 0 : i32
      %dma_wait3A_12 = tpu.memref_slice %arg4[%mul3A_2, %dma_wait3A_11] : memref<8192x32xf32, #tpu.memory_space<hbm>> -> memref<256x32xf32, #tpu.memory_space<hbm>>
      %dma_wait3A_13 = arith.constant 0 : i32
      %dma_wait3A_14 = tpu.memref_slice %arg4[%mul3A_2, %dma_wait3A_13] : memref<8192x32xf32, #tpu.memory_space<hbm>> -> memref<256x32xf32, #tpu.memory_space<hbm>>
      tpu.wait_dma2 semaphore(%run_scoped3A : memref<!tpu.dma_semaphore, #tpu.memory_space<semaphore_mem>>) src(%arg6 : memref<256x32xf32, #tpu.memory_space<vmem>>) dst(%dma_wait3A_14 : memref<256x32xf32, #tpu.memory_space<hbm>>)
      tpu.yield
    }) : () -> ()
    return
  }
}

module attributes {stable_mosaic.version = 14 : i64} {
  func.func @_vq_tc_kernel(%arg0: i32, %arg1: memref<32x1024xf32, #tpu.memory_space<vmem>>, %arg2: memref<32x1024xbf16, #tpu.memory_space<vmem>>, %arg3: memref<8192x32xbf16, #tpu.memory_space<vmem>>, %arg4: memref<8192x1xf32, #tpu.memory_space<vmem>>, %arg5: memref<1x1x1024xi32, #tpu.memory_space<vmem>>, %arg6: memref<1x1x1024xf32, #tpu.memory_space<vmem>>) attributes {dimension_semantics = [#tpu.dimension_semantics<arbitrary>], iteration_bounds = array<i64: 8>, scalar_prefetch = 0 : i64, scratch_operands = 0 : i64, tpu.core_type = #tpu.core_type<tc>, window_params = [{transform_indices = @transform_0, window_bounds = array<i64: 32, 1024>}, {transform_indices = @transform_1, window_bounds = array<i64: 32, 1024>}, {pipeline_mode = #tpu.pipeline_mode<synchronous>, transform_indices = @transform_2, window_bounds = array<i64: 8192, 32>}, {pipeline_mode = #tpu.pipeline_mode<synchronous>, transform_indices = @transform_3, window_bounds = array<i64: 8192, 1>}, {transform_indices = @transform_4, window_bounds = array<i64: 1, 1, 1024>}, {transform_indices = @transform_5, window_bounds = array<i64: 1, 1, 1024>}]} {
    %get3A = arith.constant 0 : index
    %get3A_0 = arith.constant 0 : index
    %get3A_1 = vector.load %arg1[%get3A, %get3A_0] : memref<32x1024xf32, #tpu.memory_space<vmem>>, vector<32x1024xf32>
    %mul3A = arith.mulf %get3A_1, %get3A_1 : vector<32x1024xf32>
    %slice3A = vector.extract_strided_slice %mul3A {offsets = [0, 0], sizes = [1, 1024], strides = [1, 1]} : vector<32x1024xf32> to vector<1x1024xf32>
    %slice3A_2 = vector.extract_strided_slice %mul3A {offsets = [1, 0], sizes = [1, 1024], strides = [1, 1]} : vector<32x1024xf32> to vector<1x1024xf32>
    %add3A = arith.addf %slice3A, %slice3A_2 : vector<1x1024xf32>
    %slice3A_3 = vector.extract_strided_slice %mul3A {offsets = [2, 0], sizes = [1, 1024], strides = [1, 1]} : vector<32x1024xf32> to vector<1x1024xf32>
    %add3A_4 = arith.addf %add3A, %slice3A_3 : vector<1x1024xf32>
    %slice3A_5 = vector.extract_strided_slice %mul3A {offsets = [3, 0], sizes = [1, 1024], strides = [1, 1]} : vector<32x1024xf32> to vector<1x1024xf32>
    %add3A_6 = arith.addf %add3A_4, %slice3A_5 : vector<1x1024xf32>
    %slice3A_7 = vector.extract_strided_slice %mul3A {offsets = [4, 0], sizes = [1, 1024], strides = [1, 1]} : vector<32x1024xf32> to vector<1x1024xf32>
    %add3A_8 = arith.addf %add3A_6, %slice3A_7 : vector<1x1024xf32>
    %slice3A_9 = vector.extract_strided_slice %mul3A {offsets = [5, 0], sizes = [1, 1024], strides = [1, 1]} : vector<32x1024xf32> to vector<1x1024xf32>
    %add3A_10 = arith.addf %add3A_8, %slice3A_9 : vector<1x1024xf32>
    %slice3A_11 = vector.extract_strided_slice %mul3A {offsets = [6, 0], sizes = [1, 1024], strides = [1, 1]} : vector<32x1024xf32> to vector<1x1024xf32>
    %add3A_12 = arith.addf %add3A_10, %slice3A_11 : vector<1x1024xf32>
    %slice3A_13 = vector.extract_strided_slice %mul3A {offsets = [7, 0], sizes = [1, 1024], strides = [1, 1]} : vector<32x1024xf32> to vector<1x1024xf32>
    %add3A_14 = arith.addf %add3A_12, %slice3A_13 : vector<1x1024xf32>
    %slice3A_15 = vector.extract_strided_slice %mul3A {offsets = [8, 0], sizes = [1, 1024], strides = [1, 1]} : vector<32x1024xf32> to vector<1x1024xf32>
    %add3A_16 = arith.addf %add3A_14, %slice3A_15 : vector<1x1024xf32>
    %slice3A_17 = vector.extract_strided_slice %mul3A {offsets = [9, 0], sizes = [1, 1024], strides = [1, 1]} : vector<32x1024xf32> to vector<1x1024xf32>
    %add3A_18 = arith.addf %add3A_16, %slice3A_17 : vector<1x1024xf32>
    %slice3A_19 = vector.extract_strided_slice %mul3A {offsets = [10, 0], sizes = [1, 1024], strides = [1, 1]} : vector<32x1024xf32> to vector<1x1024xf32>
    %add3A_20 = arith.addf %add3A_18, %slice3A_19 : vector<1x1024xf32>
    %slice3A_21 = vector.extract_strided_slice %mul3A {offsets = [11, 0], sizes = [1, 1024], strides = [1, 1]} : vector<32x1024xf32> to vector<1x1024xf32>
    %add3A_22 = arith.addf %add3A_20, %slice3A_21 : vector<1x1024xf32>
    %slice3A_23 = vector.extract_strided_slice %mul3A {offsets = [12, 0], sizes = [1, 1024], strides = [1, 1]} : vector<32x1024xf32> to vector<1x1024xf32>
    %add3A_24 = arith.addf %add3A_22, %slice3A_23 : vector<1x1024xf32>
    %slice3A_25 = vector.extract_strided_slice %mul3A {offsets = [13, 0], sizes = [1, 1024], strides = [1, 1]} : vector<32x1024xf32> to vector<1x1024xf32>
    %add3A_26 = arith.addf %add3A_24, %slice3A_25 : vector<1x1024xf32>
    %slice3A_27 = vector.extract_strided_slice %mul3A {offsets = [14, 0], sizes = [1, 1024], strides = [1, 1]} : vector<32x1024xf32> to vector<1x1024xf32>
    %add3A_28 = arith.addf %add3A_26, %slice3A_27 : vector<1x1024xf32>
    %slice3A_29 = vector.extract_strided_slice %mul3A {offsets = [15, 0], sizes = [1, 1024], strides = [1, 1]} : vector<32x1024xf32> to vector<1x1024xf32>
    %add3A_30 = arith.addf %add3A_28, %slice3A_29 : vector<1x1024xf32>
    %slice3A_31 = vector.extract_strided_slice %mul3A {offsets = [16, 0], sizes = [1, 1024], strides = [1, 1]} : vector<32x1024xf32> to vector<1x1024xf32>
    %add3A_32 = arith.addf %add3A_30, %slice3A_31 : vector<1x1024xf32>
    %slice3A_33 = vector.extract_strided_slice %mul3A {offsets = [17, 0], sizes = [1, 1024], strides = [1, 1]} : vector<32x1024xf32> to vector<1x1024xf32>
    %add3A_34 = arith.addf %add3A_32, %slice3A_33 : vector<1x1024xf32>
    %slice3A_35 = vector.extract_strided_slice %mul3A {offsets = [18, 0], sizes = [1, 1024], strides = [1, 1]} : vector<32x1024xf32> to vector<1x1024xf32>
    %add3A_36 = arith.addf %add3A_34, %slice3A_35 : vector<1x1024xf32>
    %slice3A_37 = vector.extract_strided_slice %mul3A {offsets = [19, 0], sizes = [1, 1024], strides = [1, 1]} : vector<32x1024xf32> to vector<1x1024xf32>
    %add3A_38 = arith.addf %add3A_36, %slice3A_37 : vector<1x1024xf32>
    %slice3A_39 = vector.extract_strided_slice %mul3A {offsets = [20, 0], sizes = [1, 1024], strides = [1, 1]} : vector<32x1024xf32> to vector<1x1024xf32>
    %add3A_40 = arith.addf %add3A_38, %slice3A_39 : vector<1x1024xf32>
    %slice3A_41 = vector.extract_strided_slice %mul3A {offsets = [21, 0], sizes = [1, 1024], strides = [1, 1]} : vector<32x1024xf32> to vector<1x1024xf32>
    %add3A_42 = arith.addf %add3A_40, %slice3A_41 : vector<1x1024xf32>
    %slice3A_43 = vector.extract_strided_slice %mul3A {offsets = [22, 0], sizes = [1, 1024], strides = [1, 1]} : vector<32x1024xf32> to vector<1x1024xf32>
    %add3A_44 = arith.addf %add3A_42, %slice3A_43 : vector<1x1024xf32>
    %slice3A_45 = vector.extract_strided_slice %mul3A {offsets = [23, 0], sizes = [1, 1024], strides = [1, 1]} : vector<32x1024xf32> to vector<1x1024xf32>
    %add3A_46 = arith.addf %add3A_44, %slice3A_45 : vector<1x1024xf32>
    %slice3A_47 = vector.extract_strided_slice %mul3A {offsets = [24, 0], sizes = [1, 1024], strides = [1, 1]} : vector<32x1024xf32> to vector<1x1024xf32>
    %add3A_48 = arith.addf %add3A_46, %slice3A_47 : vector<1x1024xf32>
    %slice3A_49 = vector.extract_strided_slice %mul3A {offsets = [25, 0], sizes = [1, 1024], strides = [1, 1]} : vector<32x1024xf32> to vector<1x1024xf32>
    %add3A_50 = arith.addf %add3A_48, %slice3A_49 : vector<1x1024xf32>
    %slice3A_51 = vector.extract_strided_slice %mul3A {offsets = [26, 0], sizes = [1, 1024], strides = [1, 1]} : vector<32x1024xf32> to vector<1x1024xf32>
    %add3A_52 = arith.addf %add3A_50, %slice3A_51 : vector<1x1024xf32>
    %slice3A_53 = vector.extract_strided_slice %mul3A {offsets = [27, 0], sizes = [1, 1024], strides = [1, 1]} : vector<32x1024xf32> to vector<1x1024xf32>
    %add3A_54 = arith.addf %add3A_52, %slice3A_53 : vector<1x1024xf32>
    %slice3A_55 = vector.extract_strided_slice %mul3A {offsets = [28, 0], sizes = [1, 1024], strides = [1, 1]} : vector<32x1024xf32> to vector<1x1024xf32>
    %add3A_56 = arith.addf %add3A_54, %slice3A_55 : vector<1x1024xf32>
    %slice3A_57 = vector.extract_strided_slice %mul3A {offsets = [29, 0], sizes = [1, 1024], strides = [1, 1]} : vector<32x1024xf32> to vector<1x1024xf32>
    %add3A_58 = arith.addf %add3A_56, %slice3A_57 : vector<1x1024xf32>
    %slice3A_59 = vector.extract_strided_slice %mul3A {offsets = [30, 0], sizes = [1, 1024], strides = [1, 1]} : vector<32x1024xf32> to vector<1x1024xf32>
    %add3A_60 = arith.addf %add3A_58, %slice3A_59 : vector<1x1024xf32>
    %slice3A_61 = vector.extract_strided_slice %mul3A {offsets = [31, 0], sizes = [1, 1024], strides = [1, 1]} : vector<32x1024xf32> to vector<1x1024xf32>
    %add3A_62 = arith.addf %add3A_60, %slice3A_61 : vector<1x1024xf32>
    %get3A_63 = arith.constant 0 : index
    %get3A_64 = arith.constant 0 : index
    %get3A_65 = vector.load %arg2[%get3A_63, %get3A_64] : memref<32x1024xbf16, #tpu.memory_space<vmem>>, vector<32x1024xbf16>
    %get3A_66 = arith.constant 0 : index
    %get3A_67 = arith.constant 0 : index
    %get3A_68 = vector.load %arg3[%get3A_66, %get3A_67] : memref<8192x32xbf16, #tpu.memory_space<vmem>>, vector<8192x32xbf16>
    %iota3A = tpu.iota {dimensions = array<i32: 0>} : vector<2048x1024xi32>
    %slice3A_69 = vector.extract_strided_slice %get3A_68 {offsets = [0, 0], sizes = [2048, 32], strides = [1, 1]} : vector<8192x32xbf16> to vector<2048x32xbf16>
    %dot_general3A = arith.constant dense<0.000000e+00> : vector<2048x1024xf32>
    %dot_general3A_70 = tpu.matmul %slice3A_69, %get3A_65, %dot_general3A {dimension_numbers = #tpu.dot_dimension_numbers<[1], [0], [0], [1], [0, 0, 1, 1], [], []>, transpose_lhs_hint = false} : vector<2048x32xbf16>, vector<32x1024xbf16>, vector<2048x1024xf32> -> vector<2048x1024xf32>
    %sub3A = vector.broadcast %add3A_62 : vector<1x1024xf32> to vector<2048x1024xf32>
    %sub3A_71 = arith.subf %sub3A, %dot_general3A_70 : vector<2048x1024xf32>
    %get3A_72 = arith.constant 0 : index
    %get3A_73 = arith.constant 0 : index
    %get3A_74 = vector.load %arg4[%get3A_72, %get3A_73] : memref<8192x1xf32, #tpu.memory_space<vmem>>, vector<2048x1xf32>
    %add3A_75 = vector.broadcast %get3A_74 : vector<2048x1xf32> to vector<2048x1024xf32>
    %add3A_76 = arith.addf %sub3A_71, %add3A_75 : vector<2048x1024xf32>
    %reduce_min3A = arith.constant dense<0x7F800000> : vector<1024xf32>
    %reduce_min3A_77 = vector.multi_reduction <minimumf>, %add3A_76, %reduce_min3A [0] : vector<2048x1024xf32> to vector<1024xf32>
    %broadcast_in_dim3A = vector.shape_cast %reduce_min3A_77 : vector<1024xf32> to vector<1x1024xf32>
    %eq3A = vector.broadcast %broadcast_in_dim3A : vector<1x1024xf32> to vector<2048x1024xf32>
    %eq3A_78 = arith.cmpf oeq, %add3A_76, %eq3A : vector<2048x1024xf32>
    %jit3A = arith.constant 2147483647 : i32
    %broadcast_in_dim3A_79 = vector.broadcast %jit3A : i32 to vector<2048x1024xi32>
    %select_n3A = arith.select %eq3A_78, %iota3A, %broadcast_in_dim3A_79 : vector<2048x1024xi1>, vector<2048x1024xi32>
    %reduce_min3A_80 = arith.constant dense<2147483647> : vector<1024xi32>
    %reduce_min3A_81 = vector.multi_reduction <minsi>, %select_n3A, %reduce_min3A_80 [0] : vector<2048x1024xi32> to vector<1024xi32>
    %broadcast_in_dim3A_82 = vector.shape_cast %reduce_min3A_81 : vector<1024xi32> to vector<1x1024xi32>
    %add3A_83 = arith.constant 0 : i32
    %add3A_84 = vector.broadcast %add3A_83 : i32 to vector<1x1024xi32>
    %add3A_85 = arith.addi %broadcast_in_dim3A_82, %add3A_84 : vector<1x1024xi32>
    %convert_element_type3A = arith.truncf %broadcast_in_dim3A : vector<1x1024xf32> to vector<1x1024xbf16>
    %slice3A_86 = vector.extract_strided_slice %get3A_68 {offsets = [2048, 0], sizes = [2048, 32], strides = [1, 1]} : vector<8192x32xbf16> to vector<2048x32xbf16>
    %dot_general3A_87 = arith.constant dense<0.000000e+00> : vector<2048x1024xf32>
    %dot_general3A_88 = tpu.matmul %slice3A_86, %get3A_65, %dot_general3A_87 {dimension_numbers = #tpu.dot_dimension_numbers<[1], [0], [0], [1], [0, 0, 1, 1], [], []>, transpose_lhs_hint = false} : vector<2048x32xbf16>, vector<32x1024xbf16>, vector<2048x1024xf32> -> vector<2048x1024xf32>
    %sub3A_89 = vector.broadcast %add3A_62 : vector<1x1024xf32> to vector<2048x1024xf32>
    %sub3A_90 = arith.subf %sub3A_89, %dot_general3A_88 : vector<2048x1024xf32>
    %get3A_91 = arith.constant 2048 : index
    %get3A_92 = arith.constant 0 : index
    %get3A_93 = vector.load %arg4[%get3A_91, %get3A_92] : memref<8192x1xf32, #tpu.memory_space<vmem>>, vector<2048x1xf32>
    %add3A_94 = vector.broadcast %get3A_93 : vector<2048x1xf32> to vector<2048x1024xf32>
    %add3A_95 = arith.addf %sub3A_90, %add3A_94 : vector<2048x1024xf32>
    %reduce_min3A_96 = arith.constant dense<0x7F800000> : vector<1024xf32>
    %reduce_min3A_97 = vector.multi_reduction <minimumf>, %add3A_95, %reduce_min3A_96 [0] : vector<2048x1024xf32> to vector<1024xf32>
    %broadcast_in_dim3A_98 = vector.shape_cast %reduce_min3A_97 : vector<1024xf32> to vector<1x1024xf32>
    %eq3A_99 = vector.broadcast %broadcast_in_dim3A_98 : vector<1x1024xf32> to vector<2048x1024xf32>
    %eq3A_100 = arith.cmpf oeq, %add3A_95, %eq3A_99 : vector<2048x1024xf32>
    %jit3A_101 = arith.constant 2147483647 : i32
    %broadcast_in_dim3A_102 = vector.broadcast %jit3A_101 : i32 to vector<2048x1024xi32>
    %select_n3A_103 = arith.select %eq3A_100, %iota3A, %broadcast_in_dim3A_102 : vector<2048x1024xi1>, vector<2048x1024xi32>
    %reduce_min3A_104 = arith.constant dense<2147483647> : vector<1024xi32>
    %reduce_min3A_105 = vector.multi_reduction <minsi>, %select_n3A_103, %reduce_min3A_104 [0] : vector<2048x1024xi32> to vector<1024xi32>
    %broadcast_in_dim3A_106 = vector.shape_cast %reduce_min3A_105 : vector<1024xi32> to vector<1x1024xi32>
    %add3A_107 = arith.constant 2048 : i32
    %add3A_108 = vector.broadcast %add3A_107 : i32 to vector<1x1024xi32>
    %add3A_109 = arith.addi %broadcast_in_dim3A_106, %add3A_108 : vector<1x1024xi32>
    %convert_element_type3A_110 = arith.extf %convert_element_type3A : vector<1x1024xbf16> to vector<1x1024xf32>
    %lt3A = arith.cmpf olt, %broadcast_in_dim3A_98, %convert_element_type3A_110 : vector<1x1024xf32>
    %select_n3A_111 = arith.select %lt3A, %broadcast_in_dim3A_98, %convert_element_type3A_110 : vector<1x1024xi1>, vector<1x1024xf32>
    %convert_element_type3A_112 = arith.truncf %select_n3A_111 : vector<1x1024xf32> to vector<1x1024xbf16>
    %select_n3A_113 = arith.select %lt3A, %broadcast_in_dim3A_98, %broadcast_in_dim3A : vector<1x1024xi1>, vector<1x1024xf32>
    %select_n3A_114 = arith.select %lt3A, %add3A_109, %add3A_85 : vector<1x1024xi1>, vector<1x1024xi32>
    %slice3A_115 = vector.extract_strided_slice %get3A_68 {offsets = [4096, 0], sizes = [2048, 32], strides = [1, 1]} : vector<8192x32xbf16> to vector<2048x32xbf16>
    %dot_general3A_116 = arith.constant dense<0.000000e+00> : vector<2048x1024xf32>
    %dot_general3A_117 = tpu.matmul %slice3A_115, %get3A_65, %dot_general3A_116 {dimension_numbers = #tpu.dot_dimension_numbers<[1], [0], [0], [1], [0, 0, 1, 1], [], []>, transpose_lhs_hint = false} : vector<2048x32xbf16>, vector<32x1024xbf16>, vector<2048x1024xf32> -> vector<2048x1024xf32>
    %sub3A_118 = vector.broadcast %add3A_62 : vector<1x1024xf32> to vector<2048x1024xf32>
    %sub3A_119 = arith.subf %sub3A_118, %dot_general3A_117 : vector<2048x1024xf32>
    %get3A_120 = arith.constant 4096 : index
    %get3A_121 = arith.constant 0 : index
    %get3A_122 = vector.load %arg4[%get3A_120, %get3A_121] : memref<8192x1xf32, #tpu.memory_space<vmem>>, vector<2048x1xf32>
    %add3A_123 = vector.broadcast %get3A_122 : vector<2048x1xf32> to vector<2048x1024xf32>
    %add3A_124 = arith.addf %sub3A_119, %add3A_123 : vector<2048x1024xf32>
    %reduce_min3A_125 = arith.constant dense<0x7F800000> : vector<1024xf32>
    %reduce_min3A_126 = vector.multi_reduction <minimumf>, %add3A_124, %reduce_min3A_125 [0] : vector<2048x1024xf32> to vector<1024xf32>
    %broadcast_in_dim3A_127 = vector.shape_cast %reduce_min3A_126 : vector<1024xf32> to vector<1x1024xf32>
    %eq3A_128 = vector.broadcast %broadcast_in_dim3A_127 : vector<1x1024xf32> to vector<2048x1024xf32>
    %eq3A_129 = arith.cmpf oeq, %add3A_124, %eq3A_128 : vector<2048x1024xf32>
    %jit3A_130 = arith.constant 2147483647 : i32
    %broadcast_in_dim3A_131 = vector.broadcast %jit3A_130 : i32 to vector<2048x1024xi32>
    %select_n3A_132 = arith.select %eq3A_129, %iota3A, %broadcast_in_dim3A_131 : vector<2048x1024xi1>, vector<2048x1024xi32>
    %reduce_min3A_133 = arith.constant dense<2147483647> : vector<1024xi32>
    %reduce_min3A_134 = vector.multi_reduction <minsi>, %select_n3A_132, %reduce_min3A_133 [0] : vector<2048x1024xi32> to vector<1024xi32>
    %broadcast_in_dim3A_135 = vector.shape_cast %reduce_min3A_134 : vector<1024xi32> to vector<1x1024xi32>
    %add3A_136 = arith.constant 4096 : i32
    %add3A_137 = vector.broadcast %add3A_136 : i32 to vector<1x1024xi32>
    %add3A_138 = arith.addi %broadcast_in_dim3A_135, %add3A_137 : vector<1x1024xi32>
    %convert_element_type3A_139 = arith.extf %convert_element_type3A_112 : vector<1x1024xbf16> to vector<1x1024xf32>
    %lt3A_140 = arith.cmpf olt, %broadcast_in_dim3A_127, %convert_element_type3A_139 : vector<1x1024xf32>
    %select_n3A_141 = arith.select %lt3A_140, %broadcast_in_dim3A_127, %convert_element_type3A_139 : vector<1x1024xi1>, vector<1x1024xf32>
    %convert_element_type3A_142 = arith.truncf %select_n3A_141 : vector<1x1024xf32> to vector<1x1024xbf16>
    %select_n3A_143 = arith.select %lt3A_140, %broadcast_in_dim3A_127, %select_n3A_113 : vector<1x1024xi1>, vector<1x1024xf32>
    %select_n3A_144 = arith.select %lt3A_140, %add3A_138, %select_n3A_114 : vector<1x1024xi1>, vector<1x1024xi32>
    %slice3A_145 = vector.extract_strided_slice %get3A_68 {offsets = [6144, 0], sizes = [2048, 32], strides = [1, 1]} : vector<8192x32xbf16> to vector<2048x32xbf16>
    %dot_general3A_146 = arith.constant dense<0.000000e+00> : vector<2048x1024xf32>
    %dot_general3A_147 = tpu.matmul %slice3A_145, %get3A_65, %dot_general3A_146 {dimension_numbers = #tpu.dot_dimension_numbers<[1], [0], [0], [1], [0, 0, 1, 1], [], []>, transpose_lhs_hint = false} : vector<2048x32xbf16>, vector<32x1024xbf16>, vector<2048x1024xf32> -> vector<2048x1024xf32>
    %sub3A_148 = vector.broadcast %add3A_62 : vector<1x1024xf32> to vector<2048x1024xf32>
    %sub3A_149 = arith.subf %sub3A_148, %dot_general3A_147 : vector<2048x1024xf32>
    %get3A_150 = arith.constant 6144 : index
    %get3A_151 = arith.constant 0 : index
    %get3A_152 = vector.load %arg4[%get3A_150, %get3A_151] : memref<8192x1xf32, #tpu.memory_space<vmem>>, vector<2048x1xf32>
    %add3A_153 = vector.broadcast %get3A_152 : vector<2048x1xf32> to vector<2048x1024xf32>
    %add3A_154 = arith.addf %sub3A_149, %add3A_153 : vector<2048x1024xf32>
    %reduce_min3A_155 = arith.constant dense<0x7F800000> : vector<1024xf32>
    %reduce_min3A_156 = vector.multi_reduction <minimumf>, %add3A_154, %reduce_min3A_155 [0] : vector<2048x1024xf32> to vector<1024xf32>
    %broadcast_in_dim3A_157 = vector.shape_cast %reduce_min3A_156 : vector<1024xf32> to vector<1x1024xf32>
    %eq3A_158 = vector.broadcast %broadcast_in_dim3A_157 : vector<1x1024xf32> to vector<2048x1024xf32>
    %eq3A_159 = arith.cmpf oeq, %add3A_154, %eq3A_158 : vector<2048x1024xf32>
    %jit3A_160 = arith.constant 2147483647 : i32
    %broadcast_in_dim3A_161 = vector.broadcast %jit3A_160 : i32 to vector<2048x1024xi32>
    %select_n3A_162 = arith.select %eq3A_159, %iota3A, %broadcast_in_dim3A_161 : vector<2048x1024xi1>, vector<2048x1024xi32>
    %reduce_min3A_163 = arith.constant dense<2147483647> : vector<1024xi32>
    %reduce_min3A_164 = vector.multi_reduction <minsi>, %select_n3A_162, %reduce_min3A_163 [0] : vector<2048x1024xi32> to vector<1024xi32>
    %broadcast_in_dim3A_165 = vector.shape_cast %reduce_min3A_164 : vector<1024xi32> to vector<1x1024xi32>
    %add3A_166 = arith.constant 6144 : i32
    %add3A_167 = vector.broadcast %add3A_166 : i32 to vector<1x1024xi32>
    %add3A_168 = arith.addi %broadcast_in_dim3A_165, %add3A_167 : vector<1x1024xi32>
    %convert_element_type3A_169 = arith.extf %convert_element_type3A_142 : vector<1x1024xbf16> to vector<1x1024xf32>
    %lt3A_170 = arith.cmpf olt, %broadcast_in_dim3A_157, %convert_element_type3A_169 : vector<1x1024xf32>
    %select_n3A_171 = arith.select %lt3A_170, %broadcast_in_dim3A_157, %select_n3A_143 : vector<1x1024xi1>, vector<1x1024xf32>
    %select_n3A_172 = arith.select %lt3A_170, %add3A_168, %select_n3A_144 : vector<1x1024xi1>, vector<1x1024xi32>
    %reshape3A = vector.shape_cast %select_n3A_172 : vector<1x1024xi32> to vector<1x1x1024xi32>
    %swap3A = arith.constant 0 : index
    %swap3A_173 = arith.constant 0 : index
    %swap3A_174 = arith.constant 0 : index
    %swap3A_175 = vector.load %arg5[%swap3A, %swap3A_173, %swap3A_174] : memref<1x1x1024xi32, #tpu.memory_space<vmem>>, vector<1x1x1024xi32>
    tpu.vector_store %arg5[%swap3A, %swap3A_173, %swap3A_174], %reshape3A {strides = array<i32>} : memref<1x1x1024xi32, #tpu.memory_space<vmem>>, vector<1x1x1024xi32>,
    %reshape3A_176 = vector.shape_cast %select_n3A_171 : vector<1x1024xf32> to vector<1x1x1024xf32>
    %swap3A_177 = arith.constant 0 : index
    %swap3A_178 = arith.constant 0 : index
    %swap3A_179 = arith.constant 0 : index
    %swap3A_180 = vector.load %arg6[%swap3A_177, %swap3A_178, %swap3A_179] : memref<1x1x1024xf32, #tpu.memory_space<vmem>>, vector<1x1x1024xf32>
    tpu.vector_store %arg6[%swap3A_177, %swap3A_178, %swap3A_179], %reshape3A_176 {strides = array<i32>} : memref<1x1x1024xf32, #tpu.memory_space<vmem>>, vector<1x1x1024xf32>,
    return
  }
  func.func @transform_0(%arg0: i32) -> (i32, i32) {
    %c0_i32 = arith.constant 0 : i32
    %c0_i32_0 = arith.constant 0 : i32
    return %c0_i32, %arg0 : i32, i32
  }
  func.func @transform_1(%arg0: i32) -> (i32, i32) {
    %c0_i32 = arith.constant 0 : i32
    %c0_i32_0 = arith.constant 0 : i32
    return %c0_i32, %arg0 : i32, i32
  }
  func.func @transform_2(%arg0: i32) -> (i32, i32) {
    %c0_i32 = arith.constant 0 : i32
    %c0_i32_0 = arith.constant 0 : i32
    %c0_i32_1 = arith.constant 0 : i32
    return %c0_i32, %c0_i32_0 : i32, i32
  }
  func.func @transform_3(%arg0: i32) -> (i32, i32) {
    %c0_i32 = arith.constant 0 : i32
    %c0_i32_0 = arith.constant 0 : i32
    %c0_i32_1 = arith.constant 0 : i32
    return %c0_i32, %c0_i32_0 : i32, i32
  }
  func.func @transform_4(%arg0: i32) -> (i32, i32, i32) {
    %c0_i32 = arith.constant 0 : i32
    %c0_i32_0 = arith.constant 0 : i32
    %c0_i32_1 = arith.constant 0 : i32
    return %arg0, %c0_i32, %c0_i32_0 : i32, i32, i32
  }
  func.func @transform_5(%arg0: i32) -> (i32, i32, i32) {
    %c0_i32 = arith.constant 0 : i32
    %c0_i32_0 = arith.constant 0 : i32
    %c0_i32_1 = arith.constant 0 : i32
    return %arg0, %c0_i32, %c0_i32_0 : i32, i32, i32
  }
}

</mosaic_0001>

<sc_bundles>
// kernel: kernel.4.cloned.1.call-start
scs
__scs_entry_jumppad:
0x0: {  	(pc) =	sbr.rel $0x88, $3  }
0x1: {  	(tag) =	ssettag $0x0;
	lr =	simm.s32 $0x1  }
0x2: {  	[smem:$0x3F9F] =	sst lr;
	_ =	strace $0xD0000000  }
0x3: {  	_ = 	snop  }
0x4: {  	_ = 	snop  }
0x5: {  	_ = 	snop  }
0x6: {  	_ = 	snop  }
0x7: {  	_ = 	snop  }
__scs_overlays_trampoline_lowered:
0x8: {  	[smem:$0x3FAE] =	sst s0  }
0x9: {  	[smem:$0x3FAF] =	sst s1  }
0xa: {  	[smem:$0x3FB0] =	sst s2  }
0xb: {  	[smem:$0x3FB1] =	sst s3  }
0xc: {  	[smem:$0x3FB2] =	sst s4  }
0xd: {  	[smem:$0x3FB3] =	sst s5  }
0xe: {  	[smem:$0x3FB4] =	sst s6  }
0xf: {  	[smem:$0x3FB5] =	sst s7  }
0x10: {  	[smem:$0x3FB6] =	sst s8  }
0x11: {  	[smem:$0x3FB7] =	sst s9;
	s0 =	simm.s32 @!p0 $0x0  }
0x12: {  	s1 =	sld [smem:$0x3F9D];
	s0 =	simm.s32 @p0 $0x1  }
0x13: {  	[smem:$0x3FB8] =	sst s0;
	s0 =	simm.s32 @!p1 $0x0  }
0x14: {  	s2 =	sld [smem:$0x3F9C];
	s0 =	simm.s32 @p1 $0x1  }
0x15: {  	[smem:$0x3FB9] =	sst s0;
	s0 =	simm.s32 @!p2 $0x0  }
0x16: {  	s3 =	sld [smem:$0x3FDB];
	s0 =	simm.s32 @p2 $0x1  }
0x17: {  	s4 =	simm.s32 $0x1BF5;
	[smem:$0x3FBB] =	sst s0  }
0x18: {  	s0 =	sld [smem:$0x3F9E];
	_ =	swait.ge [sflag:s4], $0x0  }
0x19: {  	s7 =	sld [smem:$0x3F9F]  }
0x1a: {  	s8 =	sadd.s32 $0xFFFFE003, lr  }
0x1b: {  	s9 =	sadd.s32 $0xFFFFFEF7, lr;
	s5 =	simm.s32 $0xFFFFFFFF;
	p2 =	slt.u32 s8, $0xFFFFF086  }
0x1c: {  	p1 =	slt.u32 s9, $0xF7A;
	s5 =	simm.s32 @!p2 $0x0  }
0x1d: {  	s5 =	simm.s32 @p1 $0x1;
	p0 =	seq.s32 s7, s2  }
0x1e: {  	s7 =	smul.u32 @!p0 $0xF7A, s2;
	p2 =	seq.s32 @!p0 s5, $0x0  }
0x1f: {  	s9 =	smul.u32 $0xF7A, s1;
	s8 =	simm.s32 @!p0 $0x1BF5;
	p2 =	por !p2, p0  }
0x20: {  	[sflag:s8] =	ssyncset.s32 @!p0 $0xFFFFF086;
	s6 =	sadd.s32 @!p0 s3, s7;
	s7 =	simm.s32 @!p0 $0x108  }
0x21: {  	s3 =	sadd.s32 s3, s9;
	s6 =	sadd.s32 @!p0 $0x88, s6;
	s7 =	simm.s32 @p2 $0x1082  }
0x22: {  	[simem:s7], [sflag:s8] =	dma.local @!p0 [hbm:s6], $0xF7A  }
0x23: {  	s9 =	sor.u32 $0xD0000000, s2;
	s6 =	simm.s32 $0x108;
	_ =	swait.ge @!p0 [sflag:s8], $0x0  }
0x24: {  	s3 =	sadd.s32 $0x88, s3;
	s6 =	simm.s32 @!p1 $0x1082;
	[sflag:s4] =	ssyncset.s32 $0xFFFFF086  }
0x25: {  	[simem:s6], [sflag:s4] =	dma.local [hbm:s3], $0xF7A  }
0x26: {  	[smem:$0x3F9F] =	sst s1;
	(tag) =	ssettag s2;
	_ =	strace s9  }
0x27: {  	s1 =	sld [smem:$0x3FAF]  }
0x28: {  	s2 =	sld [smem:$0x3FB0]  }
0x29: {  	s4 =	sld [smem:$0x3FB2]  }
0x2a: {  	p0 =	seq.s32 s5, $0x0;
	s5 =	sld [smem:$0x3FB3]  }
0x2b: {  	s6 =	sld [smem:$0x3FB4]  }
0x2c: {  	s7 =	sld [smem:$0x3FB5]  }
0x2d: {  	s3 =	simm.s32 $0x108;
	s8 =	sld [smem:$0x3FB6]  }
0x2e: {  	s3 =	simm.s32 @!p0 $0x1082;
	s9 =	sld [smem:$0x3FB7]  }
0x2f: {  	lr =	sadd.s32 s0, s3;
	s0 =	sld [smem:$0x3FAE]  }
0x30: {  	s3 =	sld [smem:$0x3FB1]  }
0x31: {  	[smem:$0x3FBA] =	sst s10  }
0x32: {  	s10 =	sld [smem:$0x3FB8];
	_ =	sdelay $0x3  }
0x33: {  	p0 =	seq.s32 s10, $0x1;
	s10 =	sld [smem:$0x3FBA];
	_ =	sdelay $0x3  }
0x34: {  	[smem:$0x3FBA] =	sst s10  }
0x35: {  	s10 =	sld [smem:$0x3FB9];
	_ =	sdelay $0x3  }
0x36: {  	p1 =	seq.s32 s10, $0x1;
	s10 =	sld [smem:$0x3FBA];
	_ =	sdelay $0x3  }
0x37: {  	[smem:$0x3FBA] =	sst s10  }
0x38: {  	s10 =	sld [smem:$0x3FBB]  }
0x39: {  	_ = 	snop;
	(pc) =	sbr.ind lr, $3  }
0x3a: {  	_ = 	snop  }
0x3b: {  	_ = 	snop  }
0x3c: {  	p2 =	seq.s32 s10, $0x1;
	s10 =	sld [smem:$0x3FBA]  }
0x3d: {  	_ =	shalt  }
0x3e: {  	_ =	shalt  }
0x3f: {  	_ =	shalt  }
0x40: {  	_ =	shalt  }
0x41: {  	_ =	shalt  }
0x42: {  	_ =	shalt  }
0x43: {  	_ =	shalt  }
0x44: {  	_ =	shalt  }
0x45: {  	_ =	shalt  }
0x46: {  	_ =	shalt  }
0x47: {  	_ =	shalt  }
0x48: {  	_ =	shalt  }
0x49: {  	_ =	shalt  }
0x4a: {  	_ =	shalt  }
0x4b: {  	_ =	shalt  }
0x4c: {  	_ =	shalt  }
0x4d: {  	_ =	shalt  }
0x4e: {  	_ =	shalt  }
0x4f: {  	_ =	shalt  }
0x50: {  	_ =	shalt  }
0x51: {  	_ =	shalt  }
0x52: {  	_ =	shalt  }
0x53: {  	_ =	shalt  }
0x54: {  	_ =	shalt  }
0x55: {  	_ =	shalt  }
0x56: {  	_ =	shalt  }
0x57: {  	_ =	shalt  }
0x58: {  	_ =	shalt  }
0x59: {  	_ =	shalt  }
0x5a: {  	_ =	shalt  }
0x5b: {  	_ =	shalt  }
0x5c: {  	_ =	shalt  }
0x5d: {  	_ =	shalt  }
0x5e: {  	_ =	shalt  }
0x5f: {  	_ =	shalt  }
0x60: {  	_ =	shalt  }
0x61: {  	_ =	shalt  }
0x62: {  	_ =	shalt  }
0x63: {  	_ =	shalt  }
0x64: {  	_ =	shalt  }
0x65: {  	_ =	shalt  }
0x66: {  	_ =	shalt  }
0x67: {  	_ =	shalt  }
0x68: {  	_ =	shalt  }
0x69: {  	_ =	shalt  }
0x6a: {  	_ =	shalt  }
0x6b: {  	_ =	shalt  }
0x6c: {  	_ =	shalt  }
0x6d: {  	_ =	shalt  }
0x6e: {  	_ =	shalt  }
0x6f: {  	_ =	shalt  }
0x70: {  	_ =	shalt  }
0x71: {  	_ =	shalt  }
0x72: {  	_ =	shalt  }
0x73: {  	_ =	shalt  }
0x74: {  	_ =	shalt  }
0x75: {  	_ =	shalt  }
0x76: {  	_ =	shalt  }
0x77: {  	_ =	shalt  }
0x78: {  	_ =	shalt  }
0x79: {  	_ =	shalt  }
0x7a: {  	_ =	shalt  }
0x7b: {  	_ =	shalt  }
0x7c: {  	_ =	shalt  }
0x7d: {  	_ =	shalt  }
0x7e: {  	_ =	shalt  }
0x7f: {  	_ =	shalt  }
0x80: {  	_ =	shalt  }
0x81: {  	_ =	shalt  }
0x82: {  	_ =	shalt  }
0x83: {  	_ =	shalt  }
0x84: {  	_ =	shalt  }
0x85: {  	_ =	shalt  }
0x86: {  	_ =	shalt  }
0x87: {  	_ =	shalt  }
.Lfunc_end0:
.L_simem_size_0:
called_computation_lowered:
.L_overlay_start_0:
0x88: {  	s2 =	sld [smem:$0x3FD9]  }
0x89: {  	s3 =	sld [smem:$0x3FFE];
	_ =	sdelay $0x1  }
0x8a: {  	s1 =	srdreg.scid  }
0x8b: {  	s0 =	sand.u32 $0x1, s1  }
0x8c: {  	s14 =	sshll.u32 s0, $0xA;
	s2 =	sadd.s32 s3, s2  }
0x8d: {  	s2 =	sadd.s32 s2, s14  }
0x8e: {  	[smem:$0x3FC6] =	sst s2  }
0x8f: {  	_ = 	snop  }
0x90: {  	s2 =	sld [smem:$0x3FD0];
	_ =	sdelay $0x2  }
0x91: {  	s15 =	simm.s32 $0xA;
	s4 =	simm.s32 $0x10  }
0x92: {  	[smem:s4], [sflag:s15] =	dma.local [hbm:s2], $0x1  }
0x93: {  	_ =	swait.eq [sflag:s15], $0x1  }
0x94: {  	[sflag:s15] =	ssyncset.done $0x0  }
0x95: {  	[sflag:s15] =	ssyncadd.s32 $0xFFFFFFFF  }
0x96: {  	s16 =	sld [smem:$0x10];
	(tm) =	ssettm $0x1  }
0x97: {  	s17 =	sld [smem:$0x3FFB];
	_ =	sdelay $0x3  }
0x98: {  	_ =	strace s17  }
0x99: {  	s3 =	sld [smem:$0x3FFC];
	_ =	sdelay $0x3  }
0x9a: {  	_ =	strace s3  }
0x9b: {  	s3 =	sld [smem:$0x3FFD];
	_ =	sdelay $0x3  }
0x9c: {  	_ =	strace s3  }
0x9d: {  	_ =	strace $0x8FFFFFFF  }
0x9e: {  	s18 =	sld [smem:$0x3FDB];
	_ =	sdelay $0x1  }
0x9f: {  	s19 =	simm.s32 $_scs_section_size  }
0xa0: {  	s5 =	simm.s32 $_size__tile_overlayer_lowered;
	s6 =	simm.s32 $_tile_overlayer_lowered  }
0xa1: {  	s22 =	simm.s32 $0x1BFF;
	s21 =	sshll.u32 s6, $0x1;
	s3 =	sadd.s32 s19, s18  }
0xa2: {  	s7 =	simm.s32 $0x0;
	s20 =	sshll.u32 s5, $0x1;
	s5 =	sadd.s32 s21, s3  }
0xa3: {  	[timem:s7], [sflag:s22] =	dma.local [hbm:s5], s20  }
0xa4: {  	_ =	swait.ge [sflag:s22], s20  }
0xa5: {  	s4 =	ssub.s32 $0x0, s20;
	[sflag:s22] =	ssyncset.done $0x0  }
0xa6: {  	[sflag:s22] =	ssyncadd.s32 s4;
	_ =	sdelay $0x1  }
0xa7: {  	s23 =	simm.s32 $0x1B8B  }
0xa8: {  	_ =	swait.ge [sflag:s23], $0x1  }
0xa9: {  	[sflag:s23] =	ssyncset.done $0x0  }
0xaa: {  	s25 =	simm.s32 $0x1B8E;
	s24 =	sld [smem:$0x3FFE];
	[sflag:s23] =	ssyncadd.s32 $0xFFFFFFFF  }
0xab: {  	s26 =	simm.s32 $execute0_lowered;
	[smem:$0x3FD2] =	sst s25  }
0xac: {  	s5 =	sshll.u32 s26, $0x1;
	_ =	strace $0x80000046;
	[dreg:$0x1] =	wrdreg $0xFFFFFFFF  }
0xad: {  	s28 =	simm.s32 $_size_execute0_lowered;
	s3 =	sadd.s32 s3, s5;
	[dreg:$0x0] =	wrdreg $0x0  }
0xae: {  	s5 =	sshll.u32 s28, $0x1;
	[dreg:$0x2] =	wrdreg s3  }
0xaf: {  	[dreg:$0x3] =	wrdreg s5  }
0xb0: {  	[dreg:$0x4] =	wrdreg $0xC0  }
0xb1: {  	_ =	task [dreg:s7], $0x5FFFF  }
0xb2: {  	[dreg:$0x1] =	wrdreg $0xFFFFFFFF  }
0xb3: {  	[dreg:$0x0] =	wrdreg $0x60  }
0xb4: {  	[dreg:$0x2] =	wrdreg s16  }
0xb5: {  	[dreg:$0x3] =	wrdreg s24  }
0xb6: {  	[dreg:$0x4] =	wrdreg $0x9  }
0xb7: {  	_ =	task.clear_ibuf [dreg:s7], $0x5FFFF;
	_ =	strace $0x90000046  }
0xb8: {  	s29 =	simm.s32 $0x9;
	_ =	strace $0x80000048  }
0xb9: {  	_ =	swait.ge [sflag:s29], $0x1  }
0xba: {  	[sflag:s29] =	ssyncadd.s32 $0xFFFFFFFF  }
0xbb: {  	_ =	strace $0x90000048  }
0xbc: {  	_ =	sfence  }
0xbd: {  	s30 =	sld [smem:$0x0];
	_ =	sdelay $0x2  }
0xbe: {  	s31 =	sshll.u32 s1, $0xD;
	s1 =	sshrl.u32 s1, $0x2  }
0xbf: {  	s3 =	sand.u32 $0x4000, s31;
	s1 =	sadd.s32 s1, s30  }
0xc0: {  	s0 =	sor.u32 s3, s0;
	s1 =	sshll.u32 s1, $0x11  }
0xc1: {  	s0 =	sor.u32 s1, s0  }
0xc2: {  	s0 =	sadd.s32 $0x8F2B, s0  }
0xc3: {  	[sflag:s0] =	ssyncadd.remote.s32 $0x1  }
0xc4: {  	_ =	sfence.sel $0xFFFF  }
0xc5: {  	[dreg:$0x0] =	wrdreg $0xFFFFFFFF;
	(pc) =	sbr.abs _section_cstart, $3  }
0xc6: {  	[dreg:$0x1] =	wrdreg $0xFFFFFFFF  }
0xc7: {  	_ =	task.clear_ibuf [dreg:s7], $0x2FFFF;
	_ =	strace $0x9FFFFFFF  }
0xc8: {  	(tm) =	ssettm $0x7FFFFFFF  }
0xc9: {  	_ =	shalt  }
tec
execute0_lowered:
.L_overlay_start_1:
0x0: {  	(tag) =	ssettag $0x1  }
0x1: {  	s1 =	srdreg.scid  }
0x2: {  	s0 =	stileid.u32;
	s6 =	sand.u32 $0x1, s1  }
0x3: {  	s2 =	rddreg [dreg:$0x0];
	s30 =	sshll.u32 s0, $0x9;
	s3 =	sshll.u32 s6, $0x8  }
0x4: {  	s8 =	rddreg [dreg:$0x1];
	s7 =	simm.s32 $0x1;
	s9 =	sor.u32 s3, s30  }
0x5: {  	s1 =	rddreg [dreg:$0x2];
	s3 =	simm.s32 $0x0;
	s4 =	sshrl.u32 s9, $0x3  }
0x6: {  	s10 =	ssub.s32 $0x2, s6;
	[smem:$0x7FF] =	sst s3;
	s4 =	sadd.s32 s4, s8  }
0x7: {  	_ =	strace $0x80000047;
	s5 =	sadd.s32 $0x200, s4;
	s4 =	simm.s32 $0x2  }
0x8: {  	[tilespmem:s3], [sflag:$0x2] =	stream.linear.gather [hbm4b:s5+s3], $0x100, $0x38;
	[tilespmem:$0x2100] =	vst v63  }
0x9: {  	s6 =	simm.s32 $0x100;
	s11 =	sshrl.u32 s10, $0x1;
	_ =	swait.ge [sflag:s4], $0x100  }
0xa: {  	s9 =	sshll.u32 s9, $0x2;
	s31 =	ssub.s32 s10, s11;
	[sflag:s4] =	ssyncset.done $0x0  }
0xb: {  	s8 =	sadd.s32 s9, s8;
	s9 =	smax.u32 s31, $0x1;
	[sflag:s4] =	ssyncadd.s32 $0xFFFFFF00  }
0xc: {  	[tilespmem:s6], [sflag:$0x1] =	stream.indirect.gather [hbm4b:s2+s6], $0x20, s3, s6, $0xb8;
	[tilespmem:$0x2100] =	vst v63  }
0xd: {  	p0 =	sne.s32 s9, $0x1;
	_ =	swait.ge [sflag:s7], $0x2000  }
.Ltmp0:
0xe: {  	[sflag:s7] =	ssyncset.done $0x0;
	(pc) =	sbr.rel @!p0 .LBB2_2-.Ltmp0, $4  }
0xf: {  	s8 =	sadd.s32 $0x600, s8;
	[sflag:s7] =	ssyncadd.s32 $0xFFFFE000  }
0x10: {  	[hbm4b:s8+s3] =	stream.linear.scatter [tilespmem:s6], [sflag:$0x2], $0x2000, $0x38;
	[tilespmem:$0x2100] =	vst v63  }
0x11: {  	_ =	swait.ge [sflag:s4], $0x2000  }
0x12: {  	s9 =	sadd.s32 $0xFFFFFFFF, s9;
	[sflag:s4] =	ssyncset.done $0x0  }
.LBB2_1:
0x13: {  	p0 =	sne.s32 s9, $0x1;
	s9 =	sadd.s32 $0xFFFFFFFF, s9;
	[sflag:s4] =	ssyncadd.s32 $0xFFFFE000  }
0x14: {  	[tilespmem:s3], [sflag:$0x2] =	stream.linear.gather [hbm4b:s5+s3], $0x100, $0x38;
	[tilespmem:$0x2100] =	vst v63  }
0x15: {  	_ =	swait.ge [sflag:s4], $0x100  }
0x16: {  	[sflag:s4] =	ssyncset.done $0x0  }
0x17: {  	[sflag:s4] =	ssyncadd.s32 $0xFFFFFF00  }
0x18: {  	[tilespmem:s6], [sflag:$0x1] =	stream.indirect.gather [hbm4b:s2+s6], $0x20, s3, s6, $0xb8;
	[tilespmem:$0x2100] =	vst v63  }
0x19: {  	_ =	swait.ge [sflag:s7], $0x2000  }
.Ltmp1:
0x1a: {  	[sflag:s7] =	ssyncset.done $0x0;
	(pc) =	sbr.rel @p0 .LBB2_1-.Ltmp1, $4  }
0x1b: {  	[sflag:s7] =	ssyncadd.s32 $0xFFFFE000  }
0x1c: {  	[hbm4b:s8+s3] =	stream.linear.scatter [tilespmem:s6], [sflag:$0x2], $0x2000, $0x38;
	[tilespmem:$0x2100] =	vst v63  }
0x1d: {  	_ =	swait.ge [sflag:s4], $0x2000  }
0x1e: {  	[sflag:s4] =	ssyncset.done $0x0  }
.LBB2_2:
0x1f: {  	[sflag:s4] =	ssyncadd.s32 $0xFFFFE000  }
0x20: {  	_ =	sfence.sel $0x180000  }
0x21: {  	[bflag:$0x0] =	sbarrier.arrive $0xFFFF  }
0x22: {  	p0 =	sne.s32 s0, $0x0;
	_ =	strace $0x90000047  }
0x23: {  	s0 =	sadd.s32 @!p0 $0x100000, s1;
	[bflag:$0x2] =	sbarrier.arrive $0xFFFF  }
0x24: {  	[sflag:s0] =	ssyncadd.tile.s32 @!p0 $0x1;
	_ =	shalt  }
.Lfunc_end2:
_tile_overlayer_lowered:
.L_overlay_start_2:
0x25: {  	(tag) =	ssettag $0x2  }
0x26: {  	s0 =	rddreg [dreg:$0x0];
	s2 =	stileid.u32  }
0x27: {  	s1 =	rddreg [dreg:$0x1];
	p0 =	sne.s32 s2, $0x0  }
0x28: {  	s3 =	rddreg [dreg:$0x2];
	[bflag:$0x3] =	sbarrier.arrive $0xFFFF;
	s2 =	simm.s32 @!p0 $0x1C02  }
0x29: {  	[timem:s3], [sflag:s2] =	dma.local @!p0 [hbm:s0], s1  }
0x2a: {  	s0 =	simm.s32 @!p0 $0x2  }
0x2b: {  	_ =	swait.ge @!p0 [sflag:s0], s1  }
0x2c: {  	s1 =	ssub.s32 @!p0 $0x0, s1;
	[sflag:s0] =	ssyncset.done @!p0 $0x0  }
0x2d: {  	[sflag:s0] =	ssyncadd.s32 @!p0 s1  }
0x2e: {  	[bflag:$0x3] =	sbarrier.arrive $0xFFFF  }
0x2f: {  	_ =	shalt  }

</sc_bundles>
